<compile_context>
chip_gen: v7x
topology: tpu7x:2x2x1
jax: 0.10.2.dev20260603
libtpu: 0.0.44.dev20260713+nightly
codegen_flags: <defaults>
</compile_context>

<pallas_src>
import functools
import jax
import jax.numpy as jnp
from jax import lax
from jax.experimental import pallas as pl
from jax.experimental.pallas import tpu as pltpu
from jax.experimental.pallas import tpu_sc as plsc

N_SESSIONS = 1000
D_MODEL = 128
N_CHANNELS = 128
BATCH = 4096

NC, NS = 2, 16
NW = NC * NS
BPW = BATCH // NW
CH = 1
NB = 4
NCHUNK = BPW // CH

_mesh = plsc.VectorSubcoreMesh(
    core_axis_name="c", subcore_axis_name="s", num_cores=NC, num_subcores=NS
)


@functools.partial(
    pl.kernel,
    out_type=(
        jax.ShapeDtypeStruct((BATCH, D_MODEL), jnp.float32),
        jax.ShapeDtypeStruct((BATCH, N_CHANNELS, D_MODEL), jnp.float32),
    ),
    mesh=_mesh,
    scratch_types=[
        pltpu.VMEM((BPW,), jnp.int32),
        pltpu.VMEM((NCHUNK, CH), jnp.int32),
        pltpu.VMEM((BPW, D_MODEL), jnp.float32),
        pltpu.VMEM((NB, N_CHANNELS, D_MODEL), jnp.float32),
        pltpu.SemaphoreType.DMA,
        [pltpu.SemaphoreType.DMA for _ in range(NB)],
        [pltpu.SemaphoreType.DMA for _ in range(NB // 2)],
    ],
)
def _dual_gather(idx_flat_hbm, idx_ch_hbm, sess_hbm, chan_hbm,
                 out1_hbm, out2_hbm,
                 idx_flat_v, idx_ch_v, sess_rows_v, ring,
                 sess_sem, gsems, ssems):
    wid = lax.axis_index("s") * NC + lax.axis_index("c")
    base = wid * BPW

    pltpu.sync_copy(idx_flat_hbm.at[wid], idx_flat_v)
    pltpu.sync_copy(idx_ch_hbm.at[wid], idx_ch_v)

    sess_cp = pltpu.async_copy(sess_hbm.at[idx_flat_v], sess_rows_v, sess_sem)

    NP = NB // 2

    def gather(j, b):
        pltpu.async_copy(chan_hbm.at[idx_ch_v.at[j]], ring.at[pl.ds(b, 1)],
                         gsems[b])

    def wait_gather(j, b):
        pltpu.make_async_copy(chan_hbm.at[idx_ch_v.at[j]], ring.at[pl.ds(b, 1)],
                              gsems[b]).wait()

    def scatter(j, p):
        pltpu.async_copy(ring.at[pl.ds(2 * p, 2)],
                         out2_hbm.at[pl.ds(base + j, 2)], ssems[p])

    def wait_scatter(p):
        pltpu.make_async_copy(
            ring.at[pl.ds(2 * p, 2)], out2_hbm.at[pl.ds(base, 2)], ssems[p]
        ).wait()

    for b in range(NB):
        gather(b, b)
    for p in range(NP):
        wait_gather(2 * p, 2 * p)
        wait_gather(2 * p + 1, 2 * p + 1)
        scatter(2 * p, p)

    def body(g, carry):
        j0 = NB * g
        for p in range(NP):
            wait_scatter(p)
            gather(j0 + 2 * p, 2 * p)
            gather(j0 + 2 * p + 1, 2 * p + 1)
        for p in range(NP):
            wait_gather(j0 + 2 * p, 2 * p)
            wait_gather(j0 + 2 * p + 1, 2 * p + 1)
            scatter(j0 + 2 * p, p)
        return carry

    lax.fori_loop(1, NCHUNK // NB, body, 0)

    for p in range(NP):
        wait_scatter(p)
    sess_cp.wait()
    pltpu.sync_copy(sess_rows_v, out1_hbm.at[pl.ds(base, BPW)])


def kernel(session_idx, session_weight, channel_embed):
    idx = session_idx.astype(jnp.int32)
    idx_flat = idx.reshape(NW, BPW)
    idx_ch = idx.reshape(NW, NCHUNK, CH)
    out1, out2 = _dual_gather(idx_flat, idx_ch, session_weight, channel_embed)
    return (out1, out2)

# --- scband reference (transcript-rebuilt; emitter-appended) ---
"""Pipeline reference for scband-session-embedding-33861522162386 (READ-ONLY COPY).

The authoritative reference and input builder live on the scoring server;
editing this copy changes nothing except your own understanding.
"""

import jax, jax.numpy as jnp
import numpy as np

N_SESSIONS = 1000
D_MODEL = 128
N_CHANNELS = 128
BATCH = 4096

def setup_inputs(seed: int = 0) -> dict:
    key = jax.random.key(seed)
    k1, k2, k3 = jax.random.split(key, 3)
    session_idx = jax.random.randint(k1, (BATCH,), 0, N_SESSIONS, dtype=jnp.int64 if jax.config.jax_enable_x64 else jnp.int32)
    session_weight = jax.random.normal(k2, (N_SESSIONS, D_MODEL), dtype=jnp.float32) * 0.02
    channel_embed = jax.random.normal(k3, (N_SESSIONS, N_CHANNELS, D_MODEL), dtype=jnp.float32) * 0.02
    return {"session_idx": session_idx, "session_weight": session_weight, "channel_embed": channel_embed}

def reference(session_idx, session_weight, channel_embed):
    # session_embed = nn.Embedding lookup -> gather rows of session_weight
    session_embed_out = jnp.take(session_weight, session_idx, axis=0)
    # channel_embed = self.channel_embed[session_idx] -> gather along axis 0
    channel_embed_out = jnp.take(channel_embed, session_idx, axis=0)
    return (session_embed_out, channel_embed_out)

if __name__ == "__main__":
    import jax
    _d = setup_inputs()
    print(jax.jit(kernel)(*tuple(_d.values())))

</pallas_src>

<mosaic_0001>
#map = affine_map<(d0, d1) -> (0, 0)>
#map1 = affine_map<(d0, d1) -> (0, 0, 0)>
module attributes {stable_mosaic.version = 14 : i64} {
  func.func @_dual_gather(%arg0: i32, %arg1: i32, %arg2: memref<32x128xi32, #tpu.memory_space<hbm>>, %arg3: memref<32x128x1xi32, #tpu.memory_space<hbm>>, %arg4: memref<1000x128xf32, #tpu.memory_space<hbm>>, %arg5: memref<1000x128x128xf32, #tpu.memory_space<hbm>>, %arg6: memref<4096x128xf32, #tpu.memory_space<hbm>>, %arg7: memref<4096x128x128xf32, #tpu.memory_space<hbm>>, %arg8: memref<128xi32, #tpu.memory_space<vmem>>, %arg9: memref<128x1xi32, #tpu.memory_space<vmem>>, %arg10: memref<128x128xf32, #tpu.memory_space<vmem>>, %arg11: memref<4x128x128xf32, #tpu.memory_space<vmem>>, %arg12: memref<!tpu.dma_semaphore, #tpu.memory_space<semaphore_mem>>, %arg13: memref<!tpu.dma_semaphore, #tpu.memory_space<semaphore_mem>>, %arg14: memref<!tpu.dma_semaphore, #tpu.memory_space<semaphore_mem>>, %arg15: memref<!tpu.dma_semaphore, #tpu.memory_space<semaphore_mem>>, %arg16: memref<!tpu.dma_semaphore, #tpu.memory_space<semaphore_mem>>, %arg17: memref<!tpu.dma_semaphore, #tpu.memory_space<semaphore_mem>>, %arg18: memref<!tpu.dma_semaphore, #tpu.memory_space<semaphore_mem>>) attributes {dimension_semantics = [#tpu.dimension_semantics<core_parallel>, #tpu.dimension_semantics<subcore_parallel>], iteration_bounds = array<i64: 2, 16>, scalar_prefetch = 0 : i64, scratch_operands = 11 : i64, tpu.core_type = #tpu.core_type<sc_vector_subcore>, window_params = [{transform_indices = #map}, {transform_indices = #map1}, {transform_indices = #map}, {transform_indices = #map1}, {transform_indices = #map}, {transform_indices = #map1}]} {
    %mul3A = arith.constant 2 : i32
    %mul3A_0 = arith.muli %arg1, %mul3A : i32
    %add3A = arith.addi %mul3A_0, %arg0 : i32
    %mul3A_1 = arith.constant 128 : i32
    %mul3A_2 = arith.muli %add3A, %mul3A_1 : i32
    "tpu.region"() ({
      %run_scoped3A = tpu.sem_alloc : memref<!tpu.dma_semaphore, #tpu.memory_space<semaphore_mem>>
      %dma_start3A_168 = arith.constant 0 : i32
      %dma_start3A_169 = tpu.memref_slice %arg2[%add3A, %dma_start3A_168] : memref<32x128xi32, #tpu.memory_space<hbm>> -> memref<1x128xi32, #tpu.memory_space<hbm>>
      %dma_start3A_170 = tpu.memref_squeeze %dma_start3A_169 : memref<1x128xi32, #tpu.memory_space<hbm>> -> memref<128xi32, #tpu.memory_space<hbm>>
      %dma_start3A_171 = arith.constant 0 : i32
      %dma_start3A_172 = tpu.memref_slice %arg2[%add3A, %dma_start3A_171] : memref<32x128xi32, #tpu.memory_space<hbm>> -> memref<1x128xi32, #tpu.memory_space<hbm>>
      %dma_start3A_173 = tpu.memref_squeeze %dma_start3A_172 : memref<1x128xi32, #tpu.memory_space<hbm>> -> memref<128xi32, #tpu.memory_space<hbm>>
      tpu.enqueue_dma source(%dma_start3A_173 : memref<128xi32, #tpu.memory_space<hbm>>) target(%arg8 : memref<128xi32, #tpu.memory_space<vmem>>) target_semaphore(%run_scoped3A : memref<!tpu.dma_semaphore, #tpu.memory_space<semaphore_mem>>)
      %dma_wait3A_174 = arith.constant 0 : i32
      %dma_wait3A_175 = tpu.memref_slice %arg2[%add3A, %dma_wait3A_174] : memref<32x128xi32, #tpu.memory_space<hbm>> -> memref<1x128xi32, #tpu.memory_space<hbm>>
      %dma_wait3A_176 = tpu.memref_squeeze %dma_wait3A_175 : memref<1x128xi32, #tpu.memory_space<hbm>> -> memref<128xi32, #tpu.memory_space<hbm>>
      %dma_wait3A_177 = arith.constant 0 : i32
      %dma_wait3A_178 = tpu.memref_slice %arg2[%add3A, %dma_wait3A_177] : memref<32x128xi32, #tpu.memory_space<hbm>> -> memref<1x128xi32, #tpu.memory_space<hbm>>
      %dma_wait3A_179 = tpu.memref_squeeze %dma_wait3A_178 : memref<1x128xi32, #tpu.memory_space<hbm>> -> memref<128xi32, #tpu.memory_space<hbm>>
      tpu.wait_dma2 semaphore(%run_scoped3A : memref<!tpu.dma_semaphore, #tpu.memory_space<semaphore_mem>>) src(%dma_wait3A_179 : memref<128xi32, #tpu.memory_space<hbm>>) dst(%arg8 : memref<128xi32, #tpu.memory_space<vmem>>)
      tpu.yield
    }) : () -> ()
    "tpu.region"() ({
      %run_scoped3A = tpu.sem_alloc : memref<!tpu.dma_semaphore, #tpu.memory_space<semaphore_mem>>
      %dma_start3A_168 = arith.constant 0 : i32
      %dma_start3A_169 = arith.constant 0 : i32
      %dma_start3A_170 = tpu.memref_slice %arg3[%add3A, %dma_start3A_168, %dma_start3A_169] : memref<32x128x1xi32, #tpu.memory_space<hbm>> -> memref<1x128x1xi32, #tpu.memory_space<hbm>>
      %dma_start3A_171 = tpu.memref_squeeze %dma_start3A_170 : memref<1x128x1xi32, #tpu.memory_space<hbm>> -> memref<128x1xi32, #tpu.memory_space<hbm>>
      %dma_start3A_172 = arith.constant 0 : i32
      %dma_start3A_173 = arith.constant 0 : i32
      %dma_start3A_174 = tpu.memref_slice %arg3[%add3A, %dma_start3A_172, %dma_start3A_173] : memref<32x128x1xi32, #tpu.memory_space<hbm>> -> memref<1x128x1xi32, #tpu.memory_space<hbm>>
      %dma_start3A_175 = tpu.memref_squeeze %dma_start3A_174 : memref<1x128x1xi32, #tpu.memory_space<hbm>> -> memref<128x1xi32, #tpu.memory_space<hbm>>
      tpu.enqueue_dma source(%dma_start3A_175 : memref<128x1xi32, #tpu.memory_space<hbm>>) target(%arg9 : memref<128x1xi32, #tpu.memory_space<vmem>>) target_semaphore(%run_scoped3A : memref<!tpu.dma_semaphore, #tpu.memory_space<semaphore_mem>>)
      %dma_wait3A_176 = arith.constant 0 : i32
      %dma_wait3A_177 = arith.constant 0 : i32
      %dma_wait3A_178 = tpu.memref_slice %arg3[%add3A, %dma_wait3A_176, %dma_wait3A_177] : memref<32x128x1xi32, #tpu.memory_space<hbm>> -> memref<1x128x1xi32, #tpu.memory_space<hbm>>
      %dma_wait3A_179 = tpu.memref_squeeze %dma_wait3A_178 : memref<1x128x1xi32, #tpu.memory_space<hbm>> -> memref<128x1xi32, #tpu.memory_space<hbm>>
      %dma_wait3A_180 = arith.constant 0 : i32
      %dma_wait3A_181 = arith.constant 0 : i32
      %dma_wait3A_182 = tpu.memref_slice %arg3[%add3A, %dma_wait3A_180, %dma_wait3A_181] : memref<32x128x1xi32, #tpu.memory_space<hbm>> -> memref<1x128x1xi32, #tpu.memory_space<hbm>>
      %dma_wait3A_183 = tpu.memref_squeeze %dma_wait3A_182 : memref<1x128x1xi32, #tpu.memory_space<hbm>> -> memref<128x1xi32, #tpu.memory_space<hbm>>
      tpu.wait_dma2 semaphore(%run_scoped3A : memref<!tpu.dma_semaphore, #tpu.memory_space<semaphore_mem>>) src(%dma_wait3A_183 : memref<128x1xi32, #tpu.memory_space<hbm>>) dst(%arg9 : memref<128x1xi32, #tpu.memory_space<vmem>>)
      tpu.yield
    }) : () -> ()
    %dma_start3A = arith.constant 0 : i32
    %dma_start3A_3 = arith.constant 0 : i32
    %dma_start3A_4 = tpu.memref_slice %arg4[%dma_start3A, %dma_start3A_3] : memref<1000x128xf32, #tpu.memory_space<hbm>> -> memref<1000x128xf32, #tpu.memory_space<hbm>>
    tpu.enqueue_indirect_dma source(%dma_start3A_4 : memref<1000x128xf32, #tpu.memory_space<hbm>>) target(%arg10 : memref<128x128xf32, #tpu.memory_space<vmem>>) offsets(%arg8 : memref<128xi32, #tpu.memory_space<vmem>>) semaphore(%arg12 : memref<!tpu.dma_semaphore, #tpu.memory_space<semaphore_mem>>)
    %dma_start3A_5 = arith.constant 0 : i32
    %dma_start3A_6 = arith.constant 0 : i32
    %dma_start3A_7 = arith.constant 0 : i32
    %dma_start3A_8 = arith.constant 0 : i32
    %dma_start3A_9 = tpu.memref_slice %arg11[%dma_start3A_6, %dma_start3A_7, %dma_start3A_8] : memref<4x128x128xf32, #tpu.memory_space<vmem>> -> memref<1x128x128xf32, #tpu.memory_space<vmem>>
    %dma_start3A_10 = arith.constant 0 : i32
    %dma_start3A_11 = tpu.memref_slice %arg9[%dma_start3A_5, %dma_start3A_10] : memref<128x1xi32, #tpu.memory_space<vmem>> -> memref<1x1xi32, #tpu.memory_space<vmem>>
    %dma_start3A_12 = tpu.memref_squeeze %dma_start3A_11 : memref<1x1xi32, #tpu.memory_space<vmem>> -> memref<1xi32, #tpu.memory_space<vmem>>
    %dma_start3A_13 = arith.constant 0 : i32
    %dma_start3A_14 = arith.constant 0 : i32
    %dma_start3A_15 = arith.constant 0 : i32
    %dma_start3A_16 = tpu.memref_slice %arg5[%dma_start3A_13, %dma_start3A_14, %dma_start3A_15] : memref<1000x128x128xf32, #tpu.memory_space<hbm>> -> memref<1000x128x128xf32, #tpu.memory_space<hbm>>
    tpu.enqueue_indirect_dma source(%dma_start3A_16 : memref<1000x128x128xf32, #tpu.memory_space<hbm>>) target(%dma_start3A_9 : memref<1x128x128xf32, #tpu.memory_space<vmem>>) offsets(%dma_start3A_12 : memref<1xi32, #tpu.memory_space<vmem>>) semaphore(%arg13 : memref<!tpu.dma_semaphore, #tpu.memory_space<semaphore_mem>>)
    %dma_start3A_17 = arith.constant 1 : i32
    %dma_start3A_18 = arith.constant 1 : i32
    %dma_start3A_19 = arith.constant 0 : i32
    %dma_start3A_20 = arith.constant 0 : i32
    %dma_start3A_21 = tpu.memref_slice %arg11[%dma_start3A_18, %dma_start3A_19, %dma_start3A_20] : memref<4x128x128xf32, #tpu.memory_space<vmem>> -> memref<1x128x128xf32, #tpu.memory_space<vmem>>
    %dma_start3A_22 = arith.constant 0 : i32
    %dma_start3A_23 = tpu.memref_slice %arg9[%dma_start3A_17, %dma_start3A_22] : memref<128x1xi32, #tpu.memory_space<vmem>> -> memref<1x1xi32, #tpu.memory_space<vmem>>
    %dma_start3A_24 = tpu.memref_squeeze %dma_start3A_23 : memref<1x1xi32, #tpu.memory_space<vmem>> -> memref<1xi32, #tpu.memory_space<vmem>>
    %dma_start3A_25 = arith.constant 0 : i32
    %dma_start3A_26 = arith.constant 0 : i32
    %dma_start3A_27 = arith.constant 0 : i32
    %dma_start3A_28 = tpu.memref_slice %arg5[%dma_start3A_25, %dma_start3A_26, %dma_start3A_27] : memref<1000x128x128xf32, #tpu.memory_space<hbm>> -> memref<1000x128x128xf32, #tpu.memory_space<hbm>>
    tpu.enqueue_indirect_dma source(%dma_start3A_28 : memref<1000x128x128xf32, #tpu.memory_space<hbm>>) target(%dma_start3A_21 : memref<1x128x128xf32, #tpu.memory_space<vmem>>) offsets(%dma_start3A_24 : memref<1xi32, #tpu.memory_space<vmem>>) semaphore(%arg14 : memref<!tpu.dma_semaphore, #tpu.memory_space<semaphore_mem>>)
    %dma_start3A_29 = arith.constant 2 : i32
    %dma_start3A_30 = arith.constant 2 : i32
    %dma_start3A_31 = arith.constant 0 : i32
    %dma_start3A_32 = arith.constant 0 : i32
    %dma_start3A_33 = tpu.memref_slice %arg11[%dma_start3A_30, %dma_start3A_31, %dma_start3A_32] : memref<4x128x128xf32, #tpu.memory_space<vmem>> -> memref<1x128x128xf32, #tpu.memory_space<vmem>>
    %dma_start3A_34 = arith.constant 0 : i32
    %dma_start3A_35 = tpu.memref_slice %arg9[%dma_start3A_29, %dma_start3A_34] : memref<128x1xi32, #tpu.memory_space<vmem>> -> memref<1x1xi32, #tpu.memory_space<vmem>>
    %dma_start3A_36 = tpu.memref_squeeze %dma_start3A_35 : memref<1x1xi32, #tpu.memory_space<vmem>> -> memref<1xi32, #tpu.memory_space<vmem>>
    %dma_start3A_37 = arith.constant 0 : i32
    %dma_start3A_38 = arith.constant 0 : i32
    %dma_start3A_39 = arith.constant 0 : i32
    %dma_start3A_40 = tpu.memref_slice %arg5[%dma_start3A_37, %dma_start3A_38, %dma_start3A_39] : memref<1000x128x128xf32, #tpu.memory_space<hbm>> -> memref<1000x128x128xf32, #tpu.memory_space<hbm>>
    tpu.enqueue_indirect_dma source(%dma_start3A_40 : memref<1000x128x128xf32, #tpu.memory_space<hbm>>) target(%dma_start3A_33 : memref<1x128x128xf32, #tpu.memory_space<vmem>>) offsets(%dma_start3A_36 : memref<1xi32, #tpu.memory_space<vmem>>) semaphore(%arg15 : memref<!tpu.dma_semaphore, #tpu.memory_space<semaphore_mem>>)
    %dma_start3A_41 = arith.constant 3 : i32
    %dma_start3A_42 = arith.constant 3 : i32
    %dma_start3A_43 = arith.constant 0 : i32
    %dma_start3A_44 = arith.constant 0 : i32
    %dma_start3A_45 = tpu.memref_slice %arg11[%dma_start3A_42, %dma_start3A_43, %dma_start3A_44] : memref<4x128x128xf32, #tpu.memory_space<vmem>> -> memref<1x128x128xf32, #tpu.memory_space<vmem>>
    %dma_start3A_46 = arith.constant 0 : i32
    %dma_start3A_47 = tpu.memref_slice %arg9[%dma_start3A_41, %dma_start3A_46] : memref<128x1xi32, #tpu.memory_space<vmem>> -> memref<1x1xi32, #tpu.memory_space<vmem>>
    %dma_start3A_48 = tpu.memref_squeeze %dma_start3A_47 : memref<1x1xi32, #tpu.memory_space<vmem>> -> memref<1xi32, #tpu.memory_space<vmem>>
    %dma_start3A_49 = arith.constant 0 : i32
    %dma_start3A_50 = arith.constant 0 : i32
    %dma_start3A_51 = arith.constant 0 : i32
    %dma_start3A_52 = tpu.memref_slice %arg5[%dma_start3A_49, %dma_start3A_50, %dma_start3A_51] : memref<1000x128x128xf32, #tpu.memory_space<hbm>> -> memref<1000x128x128xf32, #tpu.memory_space<hbm>>
    tpu.enqueue_indirect_dma source(%dma_start3A_52 : memref<1000x128x128xf32, #tpu.memory_space<hbm>>) target(%dma_start3A_45 : memref<1x128x128xf32, #tpu.memory_space<vmem>>) offsets(%dma_start3A_48 : memref<1xi32, #tpu.memory_space<vmem>>) semaphore(%arg16 : memref<!tpu.dma_semaphore, #tpu.memory_space<semaphore_mem>>)
    %dma_wait3A = arith.constant 0 : i32
    %dma_wait3A_53 = arith.constant 0 : i32
    %dma_wait3A_54 = arith.constant 0 : i32
    %dma_wait3A_55 = arith.constant 0 : i32
    %dma_wait3A_56 = tpu.memref_slice %arg11[%dma_wait3A_53, %dma_wait3A_54, %dma_wait3A_55] : memref<4x128x128xf32, #tpu.memory_space<vmem>> -> memref<1x128x128xf32, #tpu.memory_space<vmem>>
    %dma_wait3A_57 = arith.constant 0 : i32
    %dma_wait3A_58 = tpu.memref_slice %arg9[%dma_wait3A, %dma_wait3A_57] : memref<128x1xi32, #tpu.memory_space<vmem>> -> memref<1x1xi32, #tpu.memory_space<vmem>>
    %dma_wait3A_59 = tpu.memref_squeeze %dma_wait3A_58 : memref<1x1xi32, #tpu.memory_space<vmem>> -> memref<1xi32, #tpu.memory_space<vmem>>
    %dma_wait3A_60 = arith.constant 0 : i32
    %dma_wait3A_61 = arith.constant 0 : i32
    %dma_wait3A_62 = arith.constant 0 : i32
    %dma_wait3A_63 = tpu.memref_slice %arg5[%dma_wait3A_60, %dma_wait3A_61, %dma_wait3A_62] : memref<1000x128x128xf32, #tpu.memory_space<hbm>> -> memref<1000x128x128xf32, #tpu.memory_space<hbm>>
    tpu.wait_indirect_dma semaphore(%arg13 : memref<!tpu.dma_semaphore, #tpu.memory_space<semaphore_mem>>) src(%dma_wait3A_63 : memref<1000x128x128xf32, #tpu.memory_space<hbm>>) dst(%dma_wait3A_56 : memref<1x128x128xf32, #tpu.memory_space<vmem>>)
    %dma_wait3A_64 = arith.constant 1 : i32
    %dma_wait3A_65 = arith.constant 1 : i32
    %dma_wait3A_66 = arith.constant 0 : i32
    %dma_wait3A_67 = arith.constant 0 : i32
    %dma_wait3A_68 = tpu.memref_slice %arg11[%dma_wait3A_65, %dma_wait3A_66, %dma_wait3A_67] : memref<4x128x128xf32, #tpu.memory_space<vmem>> -> memref<1x128x128xf32, #tpu.memory_space<vmem>>
    %dma_wait3A_69 = arith.constant 0 : i32
    %dma_wait3A_70 = tpu.memref_slice %arg9[%dma_wait3A_64, %dma_wait3A_69] : memref<128x1xi32, #tpu.memory_space<vmem>> -> memref<1x1xi32, #tpu.memory_space<vmem>>
    %dma_wait3A_71 = tpu.memref_squeeze %dma_wait3A_70 : memref<1x1xi32, #tpu.memory_space<vmem>> -> memref<1xi32, #tpu.memory_space<vmem>>
    %dma_wait3A_72 = arith.constant 0 : i32
    %dma_wait3A_73 = arith.constant 0 : i32
    %dma_wait3A_74 = arith.constant 0 : i32
    %dma_wait3A_75 = tpu.memref_slice %arg5[%dma_wait3A_72, %dma_wait3A_73, %dma_wait3A_74] : memref<1000x128x128xf32, #tpu.memory_space<hbm>> -> memref<1000x128x128xf32, #tpu.memory_space<hbm>>
    tpu.wait_indirect_dma semaphore(%arg14 : memref<!tpu.dma_semaphore, #tpu.memory_space<semaphore_mem>>) src(%dma_wait3A_75 : memref<1000x128x128xf32, #tpu.memory_space<hbm>>) dst(%dma_wait3A_68 : memref<1x128x128xf32, #tpu.memory_space<vmem>>)
    %add3A_76 = arith.constant 0 : i32
    %add3A_77 = arith.addi %mul3A_2, %add3A_76 : i32
    %dma_start3A_78 = arith.constant 0 : i32
    %dma_start3A_79 = arith.constant 0 : i32
    %dma_start3A_80 = arith.constant 0 : i32
    %dma_start3A_81 = tpu.memref_slice %arg11[%dma_start3A_78, %dma_start3A_79, %dma_start3A_80] : memref<4x128x128xf32, #tpu.memory_space<vmem>> -> memref<2x128x128xf32, #tpu.memory_space<vmem>>
    %dma_start3A_82 = arith.constant 0 : i32
    %dma_start3A_83 = arith.constant 0 : i32
    %dma_start3A_84 = tpu.memref_slice %arg7[%add3A_77, %dma_start3A_82, %dma_start3A_83] : memref<4096x128x128xf32, #tpu.memory_space<hbm>> -> memref<2x128x128xf32, #tpu.memory_space<hbm>>
    %dma_start3A_85 = arith.constant 0 : i32
    %dma_start3A_86 = arith.constant 0 : i32
    %dma_start3A_87 = tpu.memref_slice %arg7[%add3A_77, %dma_start3A_85, %dma_start3A_86] : memref<4096x128x128xf32, #tpu.memory_space<hbm>> -> memref<2x128x128xf32, #tpu.memory_space<hbm>>
    %dma_start3A_88 = arith.constant 0 : i32
    %dma_start3A_89 = arith.constant 0 : i32
    %dma_start3A_90 = arith.constant 0 : i32
    %dma_start3A_91 = tpu.memref_slice %arg11[%dma_start3A_88, %dma_start3A_89, %dma_start3A_90] : memref<4x128x128xf32, #tpu.memory_space<vmem>> -> memref<2x128x128xf32, #tpu.memory_space<vmem>>
    tpu.enqueue_dma source(%dma_start3A_91 : memref<2x128x128xf32, #tpu.memory_space<vmem>>) target(%dma_start3A_87 : memref<2x128x128xf32, #tpu.memory_space<hbm>>) target_semaphore(%arg17 : memref<!tpu.dma_semaphore, #tpu.memory_space<semaphore_mem>>)
    %dma_wait3A_92 = arith.constant 2 : i32
    %dma_wait3A_93 = arith.constant 2 : i32
    %dma_wait3A_94 = arith.constant 0 : i32
    %dma_wait3A_95 = arith.constant 0 : i32
    %dma_wait3A_96 = tpu.memref_slice %arg11[%dma_wait3A_93, %dma_wait3A_94, %dma_wait3A_95] : memref<4x128x128xf32, #tpu.memory_space<vmem>> -> memref<1x128x128xf32, #tpu.memory_space<vmem>>
    %dma_wait3A_97 = arith.constant 0 : i32
    %dma_wait3A_98 = tpu.memref_slice %arg9[%dma_wait3A_92, %dma_wait3A_97] : memref<128x1xi32, #tpu.memory_space<vmem>> -> memref<1x1xi32, #tpu.memory_space<vmem>>
    %dma_wait3A_99 = tpu.memref_squeeze %dma_wait3A_98 : memref<1x1xi32, #tpu.memory_space<vmem>> -> memref<1xi32, #tpu.memory_space<vmem>>
    %dma_wait3A_100 = arith.constant 0 : i32
    %dma_wait3A_101 = arith.constant 0 : i32
    %dma_wait3A_102 = arith.constant 0 : i32
    %dma_wait3A_103 = tpu.memref_slice %arg5[%dma_wait3A_100, %dma_wait3A_101, %dma_wait3A_102] : memref<1000x128x128xf32, #tpu.memory_space<hbm>> -> memref<1000x128x128xf32, #tpu.memory_space<hbm>>
    tpu.wait_indirect_dma semaphore(%arg15 : memref<!tpu.dma_semaphore, #tpu.memory_space<semaphore_mem>>) src(%dma_wait3A_103 : memref<1000x128x128xf32, #tpu.memory_space<hbm>>) dst(%dma_wait3A_96 : memref<1x128x128xf32, #tpu.memory_space<vmem>>)
    %dma_wait3A_104 = arith.constant 3 : i32
    %dma_wait3A_105 = arith.constant 3 : i32
    %dma_wait3A_106 = arith.constant 0 : i32
    %dma_wait3A_107 = arith.constant 0 : i32
    %dma_wait3A_108 = tpu.memref_slice %arg11[%dma_wait3A_105, %dma_wait3A_106, %dma_wait3A_107] : memref<4x128x128xf32, #tpu.memory_space<vmem>> -> memref<1x128x128xf32, #tpu.memory_space<vmem>>
    %dma_wait3A_109 = arith.constant 0 : i32
    %dma_wait3A_110 = tpu.memref_slice %arg9[%dma_wait3A_104, %dma_wait3A_109] : memref<128x1xi32, #tpu.memory_space<vmem>> -> memref<1x1xi32, #tpu.memory_space<vmem>>
    %dma_wait3A_111 = tpu.memref_squeeze %dma_wait3A_110 : memref<1x1xi32, #tpu.memory_space<vmem>> -> memref<1xi32, #tpu.memory_space<vmem>>
    %dma_wait3A_112 = arith.constant 0 : i32
    %dma_wait3A_113 = arith.constant 0 : i32
    %dma_wait3A_114 = arith.constant 0 : i32
    %dma_wait3A_115 = tpu.memref_slice %arg5[%dma_wait3A_112, %dma_wait3A_113, %dma_wait3A_114] : memref<1000x128x128xf32, #tpu.memory_space<hbm>> -> memref<1000x128x128xf32, #tpu.memory_space<hbm>>
    tpu.wait_indirect_dma semaphore(%arg16 : memref<!tpu.dma_semaphore, #tpu.memory_space<semaphore_mem>>) src(%dma_wait3A_115 : memref<1000x128x128xf32, #tpu.memory_space<hbm>>) dst(%dma_wait3A_108 : memref<1x128x128xf32, #tpu.memory_space<vmem>>)
    %add3A_116 = arith.constant 2 : i32
    %add3A_117 = arith.addi %mul3A_2, %add3A_116 : i32
    %dma_start3A_118 = arith.constant 2 : i32
    %dma_start3A_119 = arith.constant 0 : i32
    %dma_start3A_120 = arith.constant 0 : i32
    %dma_start3A_121 = tpu.memref_slice %arg11[%dma_start3A_118, %dma_start3A_119, %dma_start3A_120] : memref<4x128x128xf32, #tpu.memory_space<vmem>> -> memref<2x128x128xf32, #tpu.memory_space<vmem>>
    %dma_start3A_122 = arith.constant 0 : i32
    %dma_start3A_123 = arith.constant 0 : i32
    %dma_start3A_124 = tpu.memref_slice %arg7[%add3A_117, %dma_start3A_122, %dma_start3A_123] : memref<4096x128x128xf32, #tpu.memory_space<hbm>> -> memref<2x128x128xf32, #tpu.memory_space<hbm>>
    %dma_start3A_125 = arith.constant 0 : i32
    %dma_start3A_126 = arith.constant 0 : i32
    %dma_start3A_127 = tpu.memref_slice %arg7[%add3A_117, %dma_start3A_125, %dma_start3A_126] : memref<4096x128x128xf32, #tpu.memory_space<hbm>> -> memref<2x128x128xf32, #tpu.memory_space<hbm>>
    %dma_start3A_128 = arith.constant 2 : i32
    %dma_start3A_129 = arith.constant 0 : i32
    %dma_start3A_130 = arith.constant 0 : i32
    %dma_start3A_131 = tpu.memref_slice %arg11[%dma_start3A_128, %dma_start3A_129, %dma_start3A_130] : memref<4x128x128xf32, #tpu.memory_space<vmem>> -> memref<2x128x128xf32, #tpu.memory_space<vmem>>
    tpu.enqueue_dma source(%dma_start3A_131 : memref<2x128x128xf32, #tpu.memory_space<vmem>>) target(%dma_start3A_127 : memref<2x128x128xf32, #tpu.memory_space<hbm>>) target_semaphore(%arg18 : memref<!tpu.dma_semaphore, #tpu.memory_space<semaphore_mem>>)
    %scan3A = arith.constant 0 : i32
    %scan3A_132 = arith.constant 1 : i32
    %scan3A_133 = arith.constant 31 : i32
    %scan3A_134 = arith.addi %scan3A_132, %scan3A_133 : i32
    %scan3A_135 = arith.constant 1 : i32
    scf.for %scan3A_168 = %scan3A_132 to %scan3A_134 step %scan3A_135  : i32 {
      %mul3A_169 = arith.constant 4 : i32
      %mul3A_170 = arith.muli %mul3A_169, %scan3A_168 : i32
      %dma_wait3A_171 = arith.constant 0 : i32
      %dma_wait3A_172 = arith.constant 0 : i32
      %dma_wait3A_173 = arith.constant 0 : i32
      %dma_wait3A_174 = tpu.memref_slice %arg11[%dma_wait3A_171, %dma_wait3A_172, %dma_wait3A_173] : memref<4x128x128xf32, #tpu.memory_space<vmem>> -> memref<2x128x128xf32, #tpu.memory_space<vmem>>
      %dma_wait3A_175 = arith.constant 0 : i32
      %dma_wait3A_176 = arith.constant 0 : i32
      %dma_wait3A_177 = tpu.memref_slice %arg7[%mul3A_2, %dma_wait3A_175, %dma_wait3A_176] : memref<4096x128x128xf32, #tpu.memory_space<hbm>> -> memref<2x128x128xf32, #tpu.memory_space<hbm>>
      %dma_wait3A_178 = arith.constant 0 : i32
      %dma_wait3A_179 = arith.constant 0 : i32
      %dma_wait3A_180 = tpu.memref_slice %arg7[%mul3A_2, %dma_wait3A_178, %dma_wait3A_179] : memref<4096x128x128xf32, #tpu.memory_space<hbm>> -> memref<2x128x128xf32, #tpu.memory_space<hbm>>
      %dma_wait3A_181 = arith.constant 0 : i32
      %dma_wait3A_182 = arith.constant 0 : i32
      %dma_wait3A_183 = arith.constant 0 : i32
      %dma_wait3A_184 = tpu.memref_slice %arg11[%dma_wait3A_181, %dma_wait3A_182, %dma_wait3A_183] : memref<4x128x128xf32, #tpu.memory_space<vmem>> -> memref<2x128x128xf32, #tpu.memory_space<vmem>>
      tpu.wait_dma2 semaphore(%arg17 : memref<!tpu.dma_semaphore, #tpu.memory_space<semaphore_mem>>) src(%dma_wait3A_184 : memref<2x128x128xf32, #tpu.memory_space<vmem>>) dst(%dma_wait3A_180 : memref<2x128x128xf32, #tpu.memory_space<hbm>>)
      %add3A_185 = arith.constant 0 : i32
      %add3A_186 = arith.addi %mul3A_170, %add3A_185 : i32
      %dma_start3A_187 = arith.constant 0 : i32
      %dma_start3A_188 = arith.constant 0 : i32
      %dma_start3A_189 = arith.constant 0 : i32
      %dma_start3A_190 = tpu.memref_slice %arg11[%dma_start3A_187, %dma_start3A_188, %dma_start3A_189] : memref<4x128x128xf32, #tpu.memory_space<vmem>> -> memref<1x128x128xf32, #tpu.memory_space<vmem>>
      %dma_start3A_191 = arith.constant 0 : i32
      %dma_start3A_192 = tpu.memref_slice %arg9[%add3A_186, %dma_start3A_191] : memref<128x1xi32, #tpu.memory_space<vmem>> -> memref<1x1xi32, #tpu.memory_space<vmem>>
      %dma_start3A_193 = tpu.memref_squeeze %dma_start3A_192 : memref<1x1xi32, #tpu.memory_space<vmem>> -> memref<1xi32, #tpu.memory_space<vmem>>
      %dma_start3A_194 = arith.constant 0 : i32
      %dma_start3A_195 = arith.constant 0 : i32
      %dma_start3A_196 = arith.constant 0 : i32
      %dma_start3A_197 = tpu.memref_slice %arg5[%dma_start3A_194, %dma_start3A_195, %dma_start3A_196] : memref<1000x128x128xf32, #tpu.memory_space<hbm>> -> memref<1000x128x128xf32, #tpu.memory_space<hbm>>
      tpu.enqueue_indirect_dma source(%dma_start3A_197 : memref<1000x128x128xf32, #tpu.memory_space<hbm>>) target(%dma_start3A_190 : memref<1x128x128xf32, #tpu.memory_space<vmem>>) offsets(%dma_start3A_193 : memref<1xi32, #tpu.memory_space<vmem>>) semaphore(%arg13 : memref<!tpu.dma_semaphore, #tpu.memory_space<semaphore_mem>>)
      %add3A_198 = arith.constant 0 : i32
      %add3A_199 = arith.addi %mul3A_170, %add3A_198 : i32
      %add3A_200 = arith.constant 1 : i32
      %add3A_201 = arith.addi %add3A_199, %add3A_200 : i32
      %dma_start3A_202 = arith.constant 1 : i32
      %dma_start3A_203 = arith.constant 0 : i32
      %dma_start3A_204 = arith.constant 0 : i32
      %dma_start3A_205 = tpu.memref_slice %arg11[%dma_start3A_202, %dma_start3A_203, %dma_start3A_204] : memref<4x128x128xf32, #tpu.memory_space<vmem>> -> memref<1x128x128xf32, #tpu.memory_space<vmem>>
      %dma_start3A_206 = arith.constant 0 : i32
      %dma_start3A_207 = tpu.memref_slice %arg9[%add3A_201, %dma_start3A_206] : memref<128x1xi32, #tpu.memory_space<vmem>> -> memref<1x1xi32, #tpu.memory_space<vmem>>
      %dma_start3A_208 = tpu.memref_squeeze %dma_start3A_207 : memref<1x1xi32, #tpu.memory_space<vmem>> -> memref<1xi32, #tpu.memory_space<vmem>>
      %dma_start3A_209 = arith.constant 0 : i32
      %dma_start3A_210 = arith.constant 0 : i32
      %dma_start3A_211 = arith.constant 0 : i32
      %dma_start3A_212 = tpu.memref_slice %arg5[%dma_start3A_209, %dma_start3A_210, %dma_start3A_211] : memref<1000x128x128xf32, #tpu.memory_space<hbm>> -> memref<1000x128x128xf32, #tpu.memory_space<hbm>>
      tpu.enqueue_indirect_dma source(%dma_start3A_212 : memref<1000x128x128xf32, #tpu.memory_space<hbm>>) target(%dma_start3A_205 : memref<1x128x128xf32, #tpu.memory_space<vmem>>) offsets(%dma_start3A_208 : memref<1xi32, #tpu.memory_space<vmem>>) semaphore(%arg14 : memref<!tpu.dma_semaphore, #tpu.memory_space<semaphore_mem>>)
      %dma_wait3A_213 = arith.constant 2 : i32
      %dma_wait3A_214 = arith.constant 0 : i32
      %dma_wait3A_215 = arith.constant 0 : i32
      %dma_wait3A_216 = tpu.memref_slice %arg11[%dma_wait3A_213, %dma_wait3A_214, %dma_wait3A_215] : memref<4x128x128xf32, #tpu.memory_space<vmem>> -> memref<2x128x128xf32, #tpu.memory_space<vmem>>
      %dma_wait3A_217 = arith.constant 0 : i32
      %dma_wait3A_218 = arith.constant 0 : i32
      %dma_wait3A_219 = tpu.memref_slice %arg7[%mul3A_2, %dma_wait3A_217, %dma_wait3A_218] : memref<4096x128x128xf32, #tpu.memory_space<hbm>> -> memref<2x128x128xf32, #tpu.memory_space<hbm>>
      %dma_wait3A_220 = arith.constant 0 : i32
      %dma_wait3A_221 = arith.constant 0 : i32
      %dma_wait3A_222 = tpu.memref_slice %arg7[%mul3A_2, %dma_wait3A_220, %dma_wait3A_221] : memref<4096x128x128xf32, #tpu.memory_space<hbm>> -> memref<2x128x128xf32, #tpu.memory_space<hbm>>
      %dma_wait3A_223 = arith.constant 2 : i32
      %dma_wait3A_224 = arith.constant 0 : i32
      %dma_wait3A_225 = arith.constant 0 : i32
      %dma_wait3A_226 = tpu.memref_slice %arg11[%dma_wait3A_223, %dma_wait3A_224, %dma_wait3A_225] : memref<4x128x128xf32, #tpu.memory_space<vmem>> -> memref<2x128x128xf32, #tpu.memory_space<vmem>>
      tpu.wait_dma2 semaphore(%arg18 : memref<!tpu.dma_semaphore, #tpu.memory_space<semaphore_mem>>) src(%dma_wait3A_226 : memref<2x128x128xf32, #tpu.memory_space<vmem>>) dst(%dma_wait3A_222 : memref<2x128x128xf32, #tpu.memory_space<hbm>>)
      %add3A_227 = arith.constant 2 : i32
      %add3A_228 = arith.addi %mul3A_170, %add3A_227 : i32
      %dma_start3A_229 = arith.constant 2 : i32
      %dma_start3A_230 = arith.constant 0 : i32
      %dma_start3A_231 = arith.constant 0 : i32
      %dma_start3A_232 = tpu.memref_slice %arg11[%dma_start3A_229, %dma_start3A_230, %dma_start3A_231] : memref<4x128x128xf32, #tpu.memory_space<vmem>> -> memref<1x128x128xf32, #tpu.memory_space<vmem>>
      %dma_start3A_233 = arith.constant 0 : i32
      %dma_start3A_234 = tpu.memref_slice %arg9[%add3A_228, %dma_start3A_233] : memref<128x1xi32, #tpu.memory_space<vmem>> -> memref<1x1xi32, #tpu.memory_space<vmem>>
      %dma_start3A_235 = tpu.memref_squeeze %dma_start3A_234 : memref<1x1xi32, #tpu.memory_space<vmem>> -> memref<1xi32, #tpu.memory_space<vmem>>
      %dma_start3A_236 = arith.constant 0 : i32
      %dma_start3A_237 = arith.constant 0 : i32
      %dma_start3A_238 = arith.constant 0 : i32
      %dma_start3A_239 = tpu.memref_slice %arg5[%dma_start3A_236, %dma_start3A_237, %dma_start3A_238] : memref<1000x128x128xf32, #tpu.memory_space<hbm>> -> memref<1000x128x128xf32, #tpu.memory_space<hbm>>
      tpu.enqueue_indirect_dma source(%dma_start3A_239 : memref<1000x128x128xf32, #tpu.memory_space<hbm>>) target(%dma_start3A_232 : memref<1x128x128xf32, #tpu.memory_space<vmem>>) offsets(%dma_start3A_235 : memref<1xi32, #tpu.memory_space<vmem>>) semaphore(%arg15 : memref<!tpu.dma_semaphore, #tpu.memory_space<semaphore_mem>>)
      %add3A_240 = arith.constant 2 : i32
      %add3A_241 = arith.addi %mul3A_170, %add3A_240 : i32
      %add3A_242 = arith.constant 1 : i32
      %add3A_243 = arith.addi %add3A_241, %add3A_242 : i32
      %dma_start3A_244 = arith.constant 3 : i32
      %dma_start3A_245 = arith.constant 0 : i32
      %dma_start3A_246 = arith.constant 0 : i32
      %dma_start3A_247 = tpu.memref_slice %arg11[%dma_start3A_244, %dma_start3A_245, %dma_start3A_246] : memref<4x128x128xf32, #tpu.memory_space<vmem>> -> memref<1x128x128xf32, #tpu.memory_space<vmem>>
      %dma_start3A_248 = arith.constant 0 : i32
      %dma_start3A_249 = tpu.memref_slice %arg9[%add3A_243, %dma_start3A_248] : memref<128x1xi32, #tpu.memory_space<vmem>> -> memref<1x1xi32, #tpu.memory_space<vmem>>
      %dma_start3A_250 = tpu.memref_squeeze %dma_start3A_249 : memref<1x1xi32, #tpu.memory_space<vmem>> -> memref<1xi32, #tpu.memory_space<vmem>>
      %dma_start3A_251 = arith.constant 0 : i32
      %dma_start3A_252 = arith.constant 0 : i32
      %dma_start3A_253 = arith.constant 0 : i32
      %dma_start3A_254 = tpu.memref_slice %arg5[%dma_start3A_251, %dma_start3A_252, %dma_start3A_253] : memref<1000x128x128xf32, #tpu.memory_space<hbm>> -> memref<1000x128x128xf32, #tpu.memory_space<hbm>>
      tpu.enqueue_indirect_dma source(%dma_start3A_254 : memref<1000x128x128xf32, #tpu.memory_space<hbm>>) target(%dma_start3A_247 : memref<1x128x128xf32, #tpu.memory_space<vmem>>) offsets(%dma_start3A_250 : memref<1xi32, #tpu.memory_space<vmem>>) semaphore(%arg16 : memref<!tpu.dma_semaphore, #tpu.memory_space<semaphore_mem>>)
      %add3A_255 = arith.constant 0 : i32
      %add3A_256 = arith.addi %mul3A_170, %add3A_255 : i32
      %dma_wait3A_257 = arith.constant 0 : i32
      %dma_wait3A_258 = arith.constant 0 : i32
      %dma_wait3A_259 = arith.constant 0 : i32
      %dma_wait3A_260 = tpu.memref_slice %arg11[%dma_wait3A_257, %dma_wait3A_258, %dma_wait3A_259] : memref<4x128x128xf32, #tpu.memory_space<vmem>> -> memref<1x128x128xf32, #tpu.memory_space<vmem>>
      %dma_wait3A_261 = arith.constant 0 : i32
      %dma_wait3A_262 = tpu.memref_slice %arg9[%add3A_256, %dma_wait3A_261] : memref<128x1xi32, #tpu.memory_space<vmem>> -> memref<1x1xi32, #tpu.memory_space<vmem>>
      %dma_wait3A_263 = tpu.memref_squeeze %dma_wait3A_262 : memref<1x1xi32, #tpu.memory_space<vmem>> -> memref<1xi32, #tpu.memory_space<vmem>>
      %dma_wait3A_264 = arith.constant 0 : i32
      %dma_wait3A_265 = arith.constant 0 : i32
      %dma_wait3A_266 = arith.constant 0 : i32
      %dma_wait3A_267 = tpu.memref_slice %arg5[%dma_wait3A_264, %dma_wait3A_265, %dma_wait3A_266] : memref<1000x128x128xf32, #tpu.memory_space<hbm>> -> memref<1000x128x128xf32, #tpu.memory_space<hbm>>
      tpu.wait_indirect_dma semaphore(%arg13 : memref<!tpu.dma_semaphore, #tpu.memory_space<semaphore_mem>>) src(%dma_wait3A_267 : memref<1000x128x128xf32, #tpu.memory_space<hbm>>) dst(%dma_wait3A_260 : memref<1x128x128xf32, #tpu.memory_space<vmem>>)
      %add3A_268 = arith.constant 0 : i32
      %add3A_269 = arith.addi %mul3A_170, %add3A_268 : i32
      %add3A_270 = arith.constant 1 : i32
      %add3A_271 = arith.addi %add3A_269, %add3A_270 : i32
      %dma_wait3A_272 = arith.constant 1 : i32
      %dma_wait3A_273 = arith.constant 0 : i32
      %dma_wait3A_274 = arith.constant 0 : i32
      %dma_wait3A_275 = tpu.memref_slice %arg11[%dma_wait3A_272, %dma_wait3A_273, %dma_wait3A_274] : memref<4x128x128xf32, #tpu.memory_space<vmem>> -> memref<1x128x128xf32, #tpu.memory_space<vmem>>
      %dma_wait3A_276 = arith.constant 0 : i32
      %dma_wait3A_277 = tpu.memref_slice %arg9[%add3A_271, %dma_wait3A_276] : memref<128x1xi32, #tpu.memory_space<vmem>> -> memref<1x1xi32, #tpu.memory_space<vmem>>
      %dma_wait3A_278 = tpu.memref_squeeze %dma_wait3A_277 : memref<1x1xi32, #tpu.memory_space<vmem>> -> memref<1xi32, #tpu.memory_space<vmem>>
      %dma_wait3A_279 = arith.constant 0 : i32
      %dma_wait3A_280 = arith.constant 0 : i32
      %dma_wait3A_281 = arith.constant 0 : i32
      %dma_wait3A_282 = tpu.memref_slice %arg5[%dma_wait3A_279, %dma_wait3A_280, %dma_wait3A_281] : memref<1000x128x128xf32, #tpu.memory_space<hbm>> -> memref<1000x128x128xf32, #tpu.memory_space<hbm>>
      tpu.wait_indirect_dma semaphore(%arg14 : memref<!tpu.dma_semaphore, #tpu.memory_space<semaphore_mem>>) src(%dma_wait3A_282 : memref<1000x128x128xf32, #tpu.memory_space<hbm>>) dst(%dma_wait3A_275 : memref<1x128x128xf32, #tpu.memory_space<vmem>>)
      %add3A_283 = arith.constant 0 : i32
      %add3A_284 = arith.addi %mul3A_170, %add3A_283 : i32
      %add3A_285 = arith.addi %mul3A_2, %add3A_284 : i32
      %dma_start3A_286 = arith.constant 0 : i32
      %dma_start3A_287 = arith.constant 0 : i32
      %dma_start3A_288 = arith.constant 0 : i32
      %dma_start3A_289 = tpu.memref_slice %arg11[%dma_start3A_286, %dma_start3A_287, %dma_start3A_288] : memref<4x128x128xf32, #tpu.memory_space<vmem>> -> memref<2x128x128xf32, #tpu.memory_space<vmem>>
      %dma_start3A_290 = arith.constant 0 : i32
      %dma_start3A_291 = arith.constant 0 : i32
      %dma_start3A_292 = tpu.memref_slice %arg7[%add3A_285, %dma_start3A_290, %dma_start3A_291] : memref<4096x128x128xf32, #tpu.memory_space<hbm>> -> memref<2x128x128xf32, #tpu.memory_space<hbm>>
      %dma_start3A_293 = arith.constant 0 : i32
      %dma_start3A_294 = arith.constant 0 : i32
      %dma_start3A_295 = tpu.memref_slice %arg7[%add3A_285, %dma_start3A_293, %dma_start3A_294] : memref<4096x128x128xf32, #tpu.memory_space<hbm>> -> memref<2x128x128xf32, #tpu.memory_space<hbm>>
      %dma_start3A_296 = arith.constant 0 : i32
      %dma_start3A_297 = arith.constant 0 : i32
      %dma_start3A_298 = arith.constant 0 : i32
      %dma_start3A_299 = tpu.memref_slice %arg11[%dma_start3A_296, %dma_start3A_297, %dma_start3A_298] : memref<4x128x128xf32, #tpu.memory_space<vmem>> -> memref<2x128x128xf32, #tpu.memory_space<vmem>>
      tpu.enqueue_dma source(%dma_start3A_299 : memref<2x128x128xf32, #tpu.memory_space<vmem>>) target(%dma_start3A_295 : memref<2x128x128xf32, #tpu.memory_space<hbm>>) target_semaphore(%arg17 : memref<!tpu.dma_semaphore, #tpu.memory_space<semaphore_mem>>)
      %add3A_300 = arith.constant 2 : i32
      %add3A_301 = arith.addi %mul3A_170, %add3A_300 : i32
      %dma_wait3A_302 = arith.constant 2 : i32
      %dma_wait3A_303 = arith.constant 0 : i32
      %dma_wait3A_304 = arith.constant 0 : i32
      %dma_wait3A_305 = tpu.memref_slice %arg11[%dma_wait3A_302, %dma_wait3A_303, %dma_wait3A_304] : memref<4x128x128xf32, #tpu.memory_space<vmem>> -> memref<1x128x128xf32, #tpu.memory_space<vmem>>
      %dma_wait3A_306 = arith.constant 0 : i32
      %dma_wait3A_307 = tpu.memref_slice %arg9[%add3A_301, %dma_wait3A_306] : memref<128x1xi32, #tpu.memory_space<vmem>> -> memref<1x1xi32, #tpu.memory_space<vmem>>
      %dma_wait3A_308 = tpu.memref_squeeze %dma_wait3A_307 : memref<1x1xi32, #tpu.memory_space<vmem>> -> memref<1xi32, #tpu.memory_space<vmem>>
      %dma_wait3A_309 = arith.constant 0 : i32
      %dma_wait3A_310 = arith.constant 0 : i32
      %dma_wait3A_311 = arith.constant 0 : i32
      %dma_wait3A_312 = tpu.memref_slice %arg5[%dma_wait3A_309, %dma_wait3A_310, %dma_wait3A_311] : memref<1000x128x128xf32, #tpu.memory_space<hbm>> -> memref<1000x128x128xf32, #tpu.memory_space<hbm>>
      tpu.wait_indirect_dma semaphore(%arg15 : memref<!tpu.dma_semaphore, #tpu.memory_space<semaphore_mem>>) src(%dma_wait3A_312 : memref<1000x128x128xf32, #tpu.memory_space<hbm>>) dst(%dma_wait3A_305 : memref<1x128x128xf32, #tpu.memory_space<vmem>>)
      %add3A_313 = arith.constant 2 : i32
      %add3A_314 = arith.addi %mul3A_170, %add3A_313 : i32
      %add3A_315 = arith.constant 1 : i32
      %add3A_316 = arith.addi %add3A_314, %add3A_315 : i32
      %dma_wait3A_317 = arith.constant 3 : i32
      %dma_wait3A_318 = arith.constant 0 : i32
      %dma_wait3A_319 = arith.constant 0 : i32
      %dma_wait3A_320 = tpu.memref_slice %arg11[%dma_wait3A_317, %dma_wait3A_318, %dma_wait3A_319] : memref<4x128x128xf32, #tpu.memory_space<vmem>> -> memref<1x128x128xf32, #tpu.memory_space<vmem>>
      %dma_wait3A_321 = arith.constant 0 : i32
      %dma_wait3A_322 = tpu.memref_slice %arg9[%add3A_316, %dma_wait3A_321] : memref<128x1xi32, #tpu.memory_space<vmem>> -> memref<1x1xi32, #tpu.memory_space<vmem>>
      %dma_wait3A_323 = tpu.memref_squeeze %dma_wait3A_322 : memref<1x1xi32, #tpu.memory_space<vmem>> -> memref<1xi32, #tpu.memory_space<vmem>>
      %dma_wait3A_324 = arith.constant 0 : i32
      %dma_wait3A_325 = arith.constant 0 : i32
      %dma_wait3A_326 = arith.constant 0 : i32
      %dma_wait3A_327 = tpu.memref_slice %arg5[%dma_wait3A_324, %dma_wait3A_325, %dma_wait3A_326] : memref<1000x128x128xf32, #tpu.memory_space<hbm>> -> memref<1000x128x128xf32, #tpu.memory_space<hbm>>
      tpu.wait_indirect_dma semaphore(%arg16 : memref<!tpu.dma_semaphore, #tpu.memory_space<semaphore_mem>>) src(%dma_wait3A_327 : memref<1000x128x128xf32, #tpu.memory_space<hbm>>) dst(%dma_wait3A_320 : memref<1x128x128xf32, #tpu.memory_space<vmem>>)
      %add3A_328 = arith.constant 2 : i32
      %add3A_329 = arith.addi %mul3A_170, %add3A_328 : i32
      %add3A_330 = arith.addi %mul3A_2, %add3A_329 : i32
      %dma_start3A_331 = arith.constant 2 : i32
      %dma_start3A_332 = arith.constant 0 : i32
      %dma_start3A_333 = arith.constant 0 : i32
      %dma_start3A_334 = tpu.memref_slice %arg11[%dma_start3A_331, %dma_start3A_332, %dma_start3A_333] : memref<4x128x128xf32, #tpu.memory_space<vmem>> -> memref<2x128x128xf32, #tpu.memory_space<vmem>>
      %dma_start3A_335 = arith.constant 0 : i32
      %dma_start3A_336 = arith.constant 0 : i32
      %dma_start3A_337 = tpu.memref_slice %arg7[%add3A_330, %dma_start3A_335, %dma_start3A_336] : memref<4096x128x128xf32, #tpu.memory_space<hbm>> -> memref<2x128x128xf32, #tpu.memory_space<hbm>>
      %dma_start3A_338 = arith.constant 0 : i32
      %dma_start3A_339 = arith.constant 0 : i32
      %dma_start3A_340 = tpu.memref_slice %arg7[%add3A_330, %dma_start3A_338, %dma_start3A_339] : memref<4096x128x128xf32, #tpu.memory_space<hbm>> -> memref<2x128x128xf32, #tpu.memory_space<hbm>>
      %dma_start3A_341 = arith.constant 2 : i32
      %dma_start3A_342 = arith.constant 0 : i32
      %dma_start3A_343 = arith.constant 0 : i32
      %dma_start3A_344 = tpu.memref_slice %arg11[%dma_start3A_341, %dma_start3A_342, %dma_start3A_343] : memref<4x128x128xf32, #tpu.memory_space<vmem>> -> memref<2x128x128xf32, #tpu.memory_space<vmem>>
      tpu.enqueue_dma source(%dma_start3A_344 : memref<2x128x128xf32, #tpu.memory_space<vmem>>) target(%dma_start3A_340 : memref<2x128x128xf32, #tpu.memory_space<hbm>>) target_semaphore(%arg18 : memref<!tpu.dma_semaphore, #tpu.memory_space<semaphore_mem>>)
    }
    %scan3A_136 = arith.constant 31 : i32
    %dma_wait3A_137 = arith.constant 0 : i32
    %dma_wait3A_138 = arith.constant 0 : i32
    %dma_wait3A_139 = arith.constant 0 : i32
    %dma_wait3A_140 = tpu.memref_slice %arg11[%dma_wait3A_137, %dma_wait3A_138, %dma_wait3A_139] : memref<4x128x128xf32, #tpu.memory_space<vmem>> -> memref<2x128x128xf32, #tpu.memory_space<vmem>>
    %dma_wait3A_141 = arith.constant 0 : i32
    %dma_wait3A_142 = arith.constant 0 : i32
    %dma_wait3A_143 = tpu.memref_slice %arg7[%mul3A_2, %dma_wait3A_141, %dma_wait3A_142] : memref<4096x128x128xf32, #tpu.memory_space<hbm>> -> memref<2x128x128xf32, #tpu.memory_space<hbm>>
    %dma_wait3A_144 = arith.constant 0 : i32
    %dma_wait3A_145 = arith.constant 0 : i32
    %dma_wait3A_146 = tpu.memref_slice %arg7[%mul3A_2, %dma_wait3A_144, %dma_wait3A_145] : memref<4096x128x128xf32, #tpu.memory_space<hbm>> -> memref<2x128x128xf32, #tpu.memory_space<hbm>>
    %dma_wait3A_147 = arith.constant 0 : i32
    %dma_wait3A_148 = arith.constant 0 : i32
    %dma_wait3A_149 = arith.constant 0 : i32
    %dma_wait3A_150 = tpu.memref_slice %arg11[%dma_wait3A_147, %dma_wait3A_148, %dma_wait3A_149] : memref<4x128x128xf32, #tpu.memory_space<vmem>> -> memref<2x128x128xf32, #tpu.memory_space<vmem>>
    tpu.wait_dma2 semaphore(%arg17 : memref<!tpu.dma_semaphore, #tpu.memory_space<semaphore_mem>>) src(%dma_wait3A_150 : memref<2x128x128xf32, #tpu.memory_space<vmem>>) dst(%dma_wait3A_146 : memref<2x128x128xf32, #tpu.memory_space<hbm>>)
    %dma_wait3A_151 = arith.constant 2 : i32
    %dma_wait3A_152 = arith.constant 0 : i32
    %dma_wait3A_153 = arith.constant 0 : i32
    %dma_wait3A_154 = tpu.memref_slice %arg11[%dma_wait3A_151, %dma_wait3A_152, %dma_wait3A_153] : memref<4x128x128xf32, #tpu.memory_space<vmem>> -> memref<2x128x128xf32, #tpu.memory_space<vmem>>
    %dma_wait3A_155 = arith.constant 0 : i32
    %dma_wait3A_156 = arith.constant 0 : i32
    %dma_wait3A_157 = tpu.memref_slice %arg7[%mul3A_2, %dma_wait3A_155, %dma_wait3A_156] : memref<4096x128x128xf32, #tpu.memory_space<hbm>> -> memref<2x128x128xf32, #tpu.memory_space<hbm>>
    %dma_wait3A_158 = arith.constant 0 : i32
    %dma_wait3A_159 = arith.constant 0 : i32
    %dma_wait3A_160 = tpu.memref_slice %arg7[%mul3A_2, %dma_wait3A_158, %dma_wait3A_159] : memref<4096x128x128xf32, #tpu.memory_space<hbm>> -> memref<2x128x128xf32, #tpu.memory_space<hbm>>
    %dma_wait3A_161 = arith.constant 2 : i32
    %dma_wait3A_162 = arith.constant 0 : i32
    %dma_wait3A_163 = arith.constant 0 : i32
    %dma_wait3A_164 = tpu.memref_slice %arg11[%dma_wait3A_161, %dma_wait3A_162, %dma_wait3A_163] : memref<4x128x128xf32, #tpu.memory_space<vmem>> -> memref<2x128x128xf32, #tpu.memory_space<vmem>>
    tpu.wait_dma2 semaphore(%arg18 : memref<!tpu.dma_semaphore, #tpu.memory_space<semaphore_mem>>) src(%dma_wait3A_164 : memref<2x128x128xf32, #tpu.memory_space<vmem>>) dst(%dma_wait3A_160 : memref<2x128x128xf32, #tpu.memory_space<hbm>>)
    %dma_wait3A_165 = arith.constant 0 : i32
    %dma_wait3A_166 = arith.constant 0 : i32
    %dma_wait3A_167 = tpu.memref_slice %arg4[%dma_wait3A_165, %dma_wait3A_166] : memref<1000x128xf32, #tpu.memory_space<hbm>> -> memref<1000x128xf32, #tpu.memory_space<hbm>>
    tpu.wait_indirect_dma semaphore(%arg12 : memref<!tpu.dma_semaphore, #tpu.memory_space<semaphore_mem>>) src(%dma_wait3A_167 : memref<1000x128xf32, #tpu.memory_space<hbm>>) dst(%arg10 : memref<128x128xf32, #tpu.memory_space<vmem>>)
    "tpu.region"() ({
      %run_scoped3A = tpu.sem_alloc : memref<!tpu.dma_semaphore, #tpu.memory_space<semaphore_mem>>
      %dma_start3A_168 = arith.constant 0 : i32
      %dma_start3A_169 = tpu.memref_slice %arg6[%mul3A_2, %dma_start3A_168] : memref<4096x128xf32, #tpu.memory_space<hbm>> -> memref<128x128xf32, #tpu.memory_space<hbm>>
      %dma_start3A_170 = arith.constant 0 : i32
      %dma_start3A_171 = tpu.memref_slice %arg6[%mul3A_2, %dma_start3A_170] : memref<4096x128xf32, #tpu.memory_space<hbm>> -> memref<128x128xf32, #tpu.memory_space<hbm>>
      tpu.enqueue_dma source(%arg10 : memref<128x128xf32, #tpu.memory_space<vmem>>) target(%dma_start3A_171 : memref<128x128xf32, #tpu.memory_space<hbm>>) target_semaphore(%run_scoped3A : memref<!tpu.dma_semaphore, #tpu.memory_space<semaphore_mem>>)
      %dma_wait3A_172 = arith.constant 0 : i32
      %dma_wait3A_173 = tpu.memref_slice %arg6[%mul3A_2, %dma_wait3A_172] : memref<4096x128xf32, #tpu.memory_space<hbm>> -> memref<128x128xf32, #tpu.memory_space<hbm>>
      %dma_wait3A_174 = arith.constant 0 : i32
      %dma_wait3A_175 = tpu.memref_slice %arg6[%mul3A_2, %dma_wait3A_174] : memref<4096x128xf32, #tpu.memory_space<hbm>> -> memref<128x128xf32, #tpu.memory_space<hbm>>
      tpu.wait_dma2 semaphore(%run_scoped3A : memref<!tpu.dma_semaphore, #tpu.memory_space<semaphore_mem>>) src(%arg10 : memref<128x128xf32, #tpu.memory_space<vmem>>) dst(%dma_wait3A_175 : memref<128x128xf32, #tpu.memory_space<hbm>>)
      tpu.yield
    }) : () -> ()
    return
  }
}

</mosaic_0001>

<sc_bundles>
// kernel: kernel.3.cloned.1.call-start
scs
__scs_entry_jumppad:
0x0: {  	(pc) =	sbr.rel $0x88, $3  }
0x1: {  	(tag) =	ssettag $0x0;
	lr =	simm.s32 $0x1  }
0x2: {  	[smem:$0x3F9E] =	sst lr;
	_ =	strace $0xD0000000  }
0x3: {  	_ = 	snop  }
0x4: {  	_ = 	snop  }
0x5: {  	_ = 	snop  }
0x6: {  	_ = 	snop  }
0x7: {  	_ = 	snop  }
__scs_overlays_trampoline_lowered:
0x8: {  	[smem:$0x3FAD] =	sst s0  }
0x9: {  	[smem:$0x3FAE] =	sst s1  }
0xa: {  	[smem:$0x3FAF] =	sst s2  }
0xb: {  	[smem:$0x3FB0] =	sst s3  }
0xc: {  	[smem:$0x3FB1] =	sst s4  }
0xd: {  	[smem:$0x3FB2] =	sst s5  }
0xe: {  	[smem:$0x3FB3] =	sst s6  }
0xf: {  	[smem:$0x3FB4] =	sst s7  }
0x10: {  	[smem:$0x3FB5] =	sst s8  }
0x11: {  	[smem:$0x3FB6] =	sst s9;
	s0 =	simm.s32 @!p0 $0x0  }
0x12: {  	s1 =	sld [smem:$0x3F9C];
	s0 =	simm.s32 @p0 $0x1  }
0x13: {  	[smem:$0x3FB7] =	sst s0;
	s0 =	simm.s32 @!p1 $0x0  }
0x14: {  	s2 =	sld [smem:$0x3F9B];
	s0 =	simm.s32 @p1 $0x1  }
0x15: {  	[smem:$0x3FB8] =	sst s0;
	s0 =	simm.s32 @!p2 $0x0  }
0x16: {  	s3 =	sld [smem:$0x3FDB];
	s0 =	simm.s32 @p2 $0x1  }
0x17: {  	s4 =	simm.s32 $0x1BF5;
	[smem:$0x3FBA] =	sst s0  }
0x18: {  	s0 =	sld [smem:$0x3F9D];
	_ =	swait.ge [sflag:s4], $0x0  }
0x19: {  	s7 =	sld [smem:$0x3F9E]  }
0x1a: {  	s8 =	sadd.s32 $0xFFFFE003, lr  }
0x1b: {  	s9 =	sadd.s32 $0xFFFFFEF7, lr;
	s5 =	simm.s32 $0xFFFFFFFF;
	p2 =	slt.u32 s8, $0xFFFFF086  }
0x1c: {  	p1 =	slt.u32 s9, $0xF7A;
	s5 =	simm.s32 @!p2 $0x0  }
0x1d: {  	s5 =	simm.s32 @p1 $0x1;
	p0 =	seq.s32 s7, s2  }
0x1e: {  	s7 =	smul.u32 @!p0 $0xF7A, s2;
	p2 =	seq.s32 @!p0 s5, $0x0  }
0x1f: {  	s9 =	smul.u32 $0xF7A, s1;
	s8 =	simm.s32 @!p0 $0x1BF5;
	p2 =	por !p2, p0  }
0x20: {  	[sflag:s8] =	ssyncset.s32 @!p0 $0xFFFFF086;
	s6 =	sadd.s32 @!p0 s3, s7;
	s7 =	simm.s32 @!p0 $0x108  }
0x21: {  	s3 =	sadd.s32 s3, s9;
	s6 =	sadd.s32 @!p0 $0x88, s6;
	s7 =	simm.s32 @p2 $0x1082  }
0x22: {  	[simem:s7], [sflag:s8] =	dma.local @!p0 [hbm:s6], $0xF7A  }
0x23: {  	s9 =	sor.u32 $0xD0000000, s2;
	s6 =	simm.s32 $0x108;
	_ =	swait.ge @!p0 [sflag:s8], $0x0  }
0x24: {  	s3 =	sadd.s32 $0x88, s3;
	s6 =	simm.s32 @!p1 $0x1082;
	[sflag:s4] =	ssyncset.s32 $0xFFFFF086  }
0x25: {  	[simem:s6], [sflag:s4] =	dma.local [hbm:s3], $0xF7A  }
0x26: {  	[smem:$0x3F9E] =	sst s1;
	(tag) =	ssettag s2;
	_ =	strace s9  }
0x27: {  	s1 =	sld [smem:$0x3FAE]  }
0x28: {  	s2 =	sld [smem:$0x3FAF]  }
0x29: {  	s4 =	sld [smem:$0x3FB1]  }
0x2a: {  	p0 =	seq.s32 s5, $0x0;
	s5 =	sld [smem:$0x3FB2]  }
0x2b: {  	s6 =	sld [smem:$0x3FB3]  }
0x2c: {  	s7 =	sld [smem:$0x3FB4]  }
0x2d: {  	s3 =	simm.s32 $0x108;
	s8 =	sld [smem:$0x3FB5]  }
0x2e: {  	s3 =	simm.s32 @!p0 $0x1082;
	s9 =	sld [smem:$0x3FB6]  }
0x2f: {  	lr =	sadd.s32 s0, s3;
	s0 =	sld [smem:$0x3FAD]  }
0x30: {  	s3 =	sld [smem:$0x3FB0]  }
0x31: {  	[smem:$0x3FB9] =	sst s10  }
0x32: {  	s10 =	sld [smem:$0x3FB7];
	_ =	sdelay $0x3  }
0x33: {  	p0 =	seq.s32 s10, $0x1;
	s10 =	sld [smem:$0x3FB9];
	_ =	sdelay $0x3  }
0x34: {  	[smem:$0x3FB9] =	sst s10  }
0x35: {  	s10 =	sld [smem:$0x3FB8];
	_ =	sdelay $0x3  }
0x36: {  	p1 =	seq.s32 s10, $0x1;
	s10 =	sld [smem:$0x3FB9];
	_ =	sdelay $0x3  }
0x37: {  	[smem:$0x3FB9] =	sst s10  }
0x38: {  	s10 =	sld [smem:$0x3FBA]  }
0x39: {  	_ = 	snop;
	(pc) =	sbr.ind lr, $3  }
0x3a: {  	_ = 	snop  }
0x3b: {  	_ = 	snop  }
0x3c: {  	p2 =	seq.s32 s10, $0x1;
	s10 =	sld [smem:$0x3FB9]  }
0x3d: {  	_ =	shalt  }
0x3e: {  	_ =	shalt  }
0x3f: {  	_ =	shalt  }
0x40: {  	_ =	shalt  }
0x41: {  	_ =	shalt  }
0x42: {  	_ =	shalt  }
0x43: {  	_ =	shalt  }
0x44: {  	_ =	shalt  }
0x45: {  	_ =	shalt  }
0x46: {  	_ =	shalt  }
0x47: {  	_ =	shalt  }
0x48: {  	_ =	shalt  }
0x49: {  	_ =	shalt  }
0x4a: {  	_ =	shalt  }
0x4b: {  	_ =	shalt  }
0x4c: {  	_ =	shalt  }
0x4d: {  	_ =	shalt  }
0x4e: {  	_ =	shalt  }
0x4f: {  	_ =	shalt  }
0x50: {  	_ =	shalt  }
0x51: {  	_ =	shalt  }
0x52: {  	_ =	shalt  }
0x53: {  	_ =	shalt  }
0x54: {  	_ =	shalt  }
0x55: {  	_ =	shalt  }
0x56: {  	_ =	shalt  }
0x57: {  	_ =	shalt  }
0x58: {  	_ =	shalt  }
0x59: {  	_ =	shalt  }
0x5a: {  	_ =	shalt  }
0x5b: {  	_ =	shalt  }
0x5c: {  	_ =	shalt  }
0x5d: {  	_ =	shalt  }
0x5e: {  	_ =	shalt  }
0x5f: {  	_ =	shalt  }
0x60: {  	_ =	shalt  }
0x61: {  	_ =	shalt  }
0x62: {  	_ =	shalt  }
0x63: {  	_ =	shalt  }
0x64: {  	_ =	shalt  }
0x65: {  	_ =	shalt  }
0x66: {  	_ =	shalt  }
0x67: {  	_ =	shalt  }
0x68: {  	_ =	shalt  }
0x69: {  	_ =	shalt  }
0x6a: {  	_ =	shalt  }
0x6b: {  	_ =	shalt  }
0x6c: {  	_ =	shalt  }
0x6d: {  	_ =	shalt  }
0x6e: {  	_ =	shalt  }
0x6f: {  	_ =	shalt  }
0x70: {  	_ =	shalt  }
0x71: {  	_ =	shalt  }
0x72: {  	_ =	shalt  }
0x73: {  	_ =	shalt  }
0x74: {  	_ =	shalt  }
0x75: {  	_ =	shalt  }
0x76: {  	_ =	shalt  }
0x77: {  	_ =	shalt  }
0x78: {  	_ =	shalt  }
0x79: {  	_ =	shalt  }
0x7a: {  	_ =	shalt  }
0x7b: {  	_ =	shalt  }
0x7c: {  	_ =	shalt  }
0x7d: {  	_ =	shalt  }
0x7e: {  	_ =	shalt  }
0x7f: {  	_ =	shalt  }
0x80: {  	_ =	shalt  }
0x81: {  	_ =	shalt  }
0x82: {  	_ =	shalt  }
0x83: {  	_ =	shalt  }
0x84: {  	_ =	shalt  }
0x85: {  	_ =	shalt  }
0x86: {  	_ =	shalt  }
0x87: {  	_ =	shalt  }
.Lfunc_end0:
.L_simem_size_0:
called_computation_lowered:
.L_overlay_start_0:
0x88: {  	s2 =	sld [smem:$0x3FD9]  }
0x89: {  	s3 =	sld [smem:$0x3FFE];
	_ =	sdelay $0x1  }
0x8a: {  	s1 =	srdreg.scid  }
0x8b: {  	s0 =	sand.u32 $0x1, s1  }
0x8c: {  	s14 =	sshll.u32 s0, $0xA;
	s2 =	sadd.s32 s3, s2  }
0x8d: {  	s2 =	sadd.s32 s2, s14  }
0x8e: {  	[smem:$0x3FC5] =	sst s2  }
0x8f: {  	_ = 	snop  }
0x90: {  	s2 =	sld [smem:$0x3FD0]  }
0x91: {  	s15 =	sld [smem:$0x3FC9]  }
0x92: {  	s4 =	sld [smem:$0x3FC8]  }
0x93: {  	s6 =	simm.s32 $0xA;
	s7 =	simm.s32 $0x10;
	s5 =	sld [smem:$0x3FC7]  }
0x94: {  	[smem:s7], [sflag:s6] =	dma.local [hbm:s2], $0x1  }
0x95: {  	_ =	swait.eq [sflag:s6], $0x1  }
0x96: {  	[sflag:s6] =	ssyncset.done $0x0  }
0x97: {  	s16 =	sld [smem:$0x10];
	[sflag:s6] =	ssyncadd.s32 $0xFFFFFFFF  }
0x98: {  	s17 =	sld [smem:$0x11];
	(tm) =	ssettm $0x1  }
0x99: {  	s18 =	sld [smem:$0x3FFB];
	_ =	sdelay $0x3  }
0x9a: {  	_ =	strace s18  }
0x9b: {  	s7 =	sld [smem:$0x3FFC];
	_ =	sdelay $0x3  }
0x9c: {  	_ =	strace s7  }
0x9d: {  	s7 =	sld [smem:$0x3FFD];
	_ =	sdelay $0x3  }
0x9e: {  	_ =	strace s7  }
0x9f: {  	_ =	strace $0x8FFFFFFF  }
0xa0: {  	s19 =	sld [smem:$0x3FDB];
	_ =	sdelay $0x1  }
0xa1: {  	s8 =	simm.s32 $_scs_section_size  }
0xa2: {  	s9 =	simm.s32 $_size__tile_overlayer_lowered;
	s10 =	simm.s32 $_tile_overlayer_lowered  }
0xa3: {  	s22 =	simm.s32 $0x1BFF;
	s21 =	sshll.u32 s10, $0x1;
	s7 =	sadd.s32 s8, s19  }
0xa4: {  	s11 =	simm.s32 $0x0;
	s20 =	sshll.u32 s9, $0x1;
	s9 =	sadd.s32 s21, s7  }
0xa5: {  	[timem:s11], [sflag:s22] =	dma.local [hbm:s9], s20  }
0xa6: {  	_ =	swait.ge [sflag:s22], s20  }
0xa7: {  	s8 =	ssub.s32 $0x0, s20;
	[sflag:s22] =	ssyncset.done $0x0  }
0xa8: {  	[sflag:s22] =	ssyncadd.s32 s8;
	_ =	sdelay $0x1  }
0xa9: {  	s23 =	simm.s32 $0x1B8B  }
0xaa: {  	_ =	swait.ge [sflag:s23], $0x1  }
0xab: {  	[sflag:s23] =	ssyncset.done $0x0  }
0xac: {  	s25 =	simm.s32 $0x1B8E;
	s24 =	sld [smem:$0x3FFE];
	[sflag:s23] =	ssyncadd.s32 $0xFFFFFFFF  }
0xad: {  	s26 =	simm.s32 $execute0_lowered;
	[smem:$0x3FD2] =	sst s25  }
0xae: {  	s9 =	sshll.u32 s26, $0x1;
	_ =	strace $0x80000046;
	[dreg:$0x1] =	wrdreg $0xFFFFFFFF  }
0xaf: {  	s28 =	simm.s32 $_size_execute0_lowered;
	s7 =	sadd.s32 s7, s9;
	[dreg:$0x0] =	wrdreg $0x0  }
0xb0: {  	s9 =	sshll.u32 s28, $0x1;
	[dreg:$0x2] =	wrdreg s7  }
0xb1: {  	[dreg:$0x3] =	wrdreg s9  }
0xb2: {  	[dreg:$0x4] =	wrdreg $0xC0  }
0xb3: {  	_ =	task [dreg:s11], $0x5FFFF  }
0xb4: {  	[dreg:$0x1] =	wrdreg $0xFFFFFFFF  }
0xb5: {  	[dreg:$0x0] =	wrdreg $0x60  }
0xb6: {  	[dreg:$0x2] =	wrdreg s15  }
0xb7: {  	[dreg:$0x3] =	wrdreg s24  }
0xb8: {  	[dreg:$0x4] =	wrdreg s4  }
0xb9: {  	[dreg:$0x5] =	wrdreg s5  }
0xba: {  	[dreg:$0x6] =	wrdreg s16  }
0xbb: {  	[dreg:$0x7] =	wrdreg s17  }
0xbc: {  	[dreg:$0x8] =	wrdreg $0x9  }
0xbd: {  	_ =	task.clear_ibuf [dreg:s11], $0x9FFFF;
	_ =	strace $0x90000046  }
0xbe: {  	s29 =	simm.s32 $0x9;
	_ =	strace $0x80000048  }
0xbf: {  	_ =	swait.ge [sflag:s29], $0x1  }
0xc0: {  	[sflag:s29] =	ssyncadd.s32 $0xFFFFFFFF  }
0xc1: {  	_ =	strace $0x90000048  }
0xc2: {  	_ =	sfence  }
0xc3: {  	s30 =	sld [smem:$0x0];
	_ =	sdelay $0x2  }
0xc4: {  	s31 =	sshll.u32 s1, $0xD;
	s1 =	sshrl.u32 s1, $0x2  }
0xc5: {  	s3 =	sand.u32 $0x4000, s31;
	s1 =	sadd.s32 s1, s30  }
0xc6: {  	s0 =	sor.u32 s3, s0;
	s1 =	sshll.u32 s1, $0x11  }
0xc7: {  	s0 =	sor.u32 s1, s0  }
0xc8: {  	s0 =	sadd.s32 $0x8F2B, s0  }
0xc9: {  	[sflag:s0] =	ssyncadd.remote.s32 $0x1  }
0xca: {  	_ =	sfence.sel $0xFFFF  }
0xcb: {  	[dreg:$0x0] =	wrdreg $0xFFFFFFFF;
	(pc) =	sbr.abs _section_cstart, $3  }
0xcc: {  	[dreg:$0x1] =	wrdreg $0xFFFFFFFF  }
0xcd: {  	_ =	task.clear_ibuf [dreg:s11], $0x2FFFF;
	_ =	strace $0x9FFFFFFF  }
0xce: {  	(tm) =	ssettm $0x7FFFFFFF  }
0xcf: {  	_ =	shalt  }
tec
execute0_lowered:
.L_overlay_start_1:
0x0: {  	(tag) =	ssettag $0x1  }
0x1: {  	s0 =	rddreg [dreg:$0x0]  }
0x2: {  	s1 =	rddreg [dreg:$0x1]  }
0x3: {  	s2 =	rddreg [dreg:$0x3]  }
0x4: {  	s3 =	rddreg [dreg:$0x4]  }
0x5: {  	s10 =	rddreg [dreg:$0x5]  }
0x6: {  	s4 =	simm.s32 $0x0;
	s5 =	srdreg.scid;
	s13 =	stileid.u32  }
0x7: {  	s14 =	simm.s32 $0x80;
	s15 =	simm.s32 $0x4080;
	s16 =	simm.s32 $0x1  }
0x8: {  	s17 =	simm.s32 $0x8080;
	s19 =	simm.s32 $0xC080;
	s28 =	simm.s32 $0x5  }
0x9: {  	s29 =	simm.s32 $0x6;
	s30 =	simm.s32 $0x7;
	s31 =	simm.s32 $0x0  }
0xa: {  	[smem:$0x7FF] =	sst s4;
	s6 =	sand.u32 $0x1, s5;
	s21 =	sshll.u32 s13, $0x1  }
0xb: {  	s24 =	sshll.u32 s13, $0x13;
	s13 =	simm.s32 $0x8;
	_ =	strace $0x80000047  }
0xc: {  	s7 =	sor.u32 s6, s21;
	s22 =	ssub.s32 $0x2, s6;
	s25 =	sshll.u32 s6, $0x12  }
0xd: {  	s21 =	simm.s32 $0x10080;
	s9 =	sshll.u32 s7, $0xB;
	s8 =	sshrl.u32 s22, $0x1  }
0xe: {  	s11 =	sshll.u32 s7, $0x4;
	s23 =	sshll.u32 s7, $0x12;
	s26 =	sor.u32 s25, s24  }
0xf: {  	s24 =	simm.s32 $0x2;
	s25 =	simm.s32 $0x3;
	s1 =	sadd.s32 s9, s1  }
0x10: {  	s12 =	ssub.s32 s22, s8;
	s5 =	sadd.s32 s0, s11;
	s7 =	sadd.s32 s10, s23  }
0x11: {  	s9 =	sadd.s32 s3, s9;
	s0 =	sadd.s32 s26, s10;
	s23 =	simm.s32 $0x14080  }
0x12: {  	s26 =	simm.s32 $0x4;
	s6 =	sadd.s32 $0x600, s1;
	s8 =	sadd.s32 $0x1000, s7  }
0x13: {  	s10 =	smax.u32 s12, $0x1;
	s11 =	sadd.s32 $0x2000, s0;
	s18 =	sadd.s32 $0x3000, s0  }
.LBB2_1:
0x14: {  	[tilespmem:s4], [sflag:$0x8] =	stream.linear.gather [hbm4b:s5+s4], $0x80, $0x38;
	[tilespmem:$0x18080] =	vst v63  }
0x15: {  	_ =	swait.ge [sflag:s13], $0x80  }
0x16: {  	[sflag:s13] =	ssyncset.done $0x0  }
0x17: {  	[sflag:s13] =	ssyncadd.s32 $0xFFFFFF80  }
0x18: {  	[tilespmem:s14], [sflag:$0x8] =	stream.linear.gather [hbm4b:s6+s4], $0x4000, $0x38;
	[tilespmem:$0x18080] =	vst v63  }
0x19: {  	_ =	swait.ge [sflag:s13], $0x4000  }
0x1a: {  	[sflag:s13] =	ssyncset.done $0x0  }
0x1b: {  	[sflag:s13] =	ssyncadd.s32 $0xFFFFC000  }
0x1c: {  	s0 =	rddreg [dreg:$0x2]  }
0x1d: {  	[tilespmem:s15], [sflag:$0x1] =	stream.indirect.gather [hbm4b:s0+s14], $0x80, s4, s14, $0xb8;
	[tilespmem:$0x18080] =	vst v63  }
0x1e: {  	_ = 	snop  }
0x1f: {  	[tilespmem:s17], [sflag:$0x2] =	stream.indirect.gather [hbm4b:s2+s16], $0x4000, s14, s16, $0xb8;
	[tilespmem:$0x18080] =	vst v63  }
0x20: {  	s20 =	simm.s32 $0x100  }
0x21: {  	[tilespmem:s19], [sflag:$0x3] =	stream.indirect.gather [hbm4b:s2+s16], $0x4000, s20, s16, $0xb8;
	[tilespmem:$0x18080] =	vst v63  }
0x22: {  	s22 =	simm.s32 $0x180  }
0x23: {  	[tilespmem:s21], [sflag:$0x4] =	stream.indirect.gather [hbm4b:s2+s16], $0x4000, s22, s16, $0xb8;
	[tilespmem:$0x18080] =	vst v63  }
0x24: {  	s1 =	simm.s32 $0x200  }
0x25: {  	[tilespmem:s23], [sflag:$0x5] =	stream.indirect.gather [hbm4b:s2+s16], $0x4000, s1, s16, $0xb8;
	[tilespmem:$0x18080] =	vst v63  }
0x26: {  	_ =	swait.ge [sflag:s24], $0x4000  }
0x27: {  	[sflag:s24] =	ssyncset.done $0x0  }
0x28: {  	[sflag:s24] =	ssyncadd.s32 $0xFFFFC000  }
0x29: {  	_ =	swait.ge [sflag:s25], $0x4000  }
0x2a: {  	[sflag:s25] =	ssyncset.done $0x0  }
0x2b: {  	[sflag:s25] =	ssyncadd.s32 $0xFFFFC000  }
0x2c: {  	[hbm4b:s7+s4] =	stream.linear.scatter [tilespmem:s17], [sflag:$0x6], $0x8000, $0x38;
	[tilespmem:$0x18080] =	vst v63  }
0x2d: {  	_ =	swait.ge [sflag:s26], $0x4000  }
0x2e: {  	[sflag:s26] =	ssyncset.done $0x0  }
0x2f: {  	[sflag:s26] =	ssyncadd.s32 $0xFFFFC000  }
0x30: {  	_ =	swait.ge [sflag:s28], $0x4000  }
0x31: {  	[sflag:s28] =	ssyncset.done $0x0  }
0x32: {  	[sflag:s28] =	ssyncadd.s32 $0xFFFFC000  }
0x33: {  	[hbm4b:s8+s4] =	stream.linear.scatter [tilespmem:s21], [sflag:$0x7], $0x8000, $0x38;
	[tilespmem:$0x18080] =	vst v63  }
0x34: {  	_ =	swait.ge [sflag:s29], $0x8000  }
0x35: {  	[sflag:s29] =	ssyncset.done $0x0  }
0x36: {  	s3 =	simm.s32 $0x280;
	[sflag:s29] =	ssyncadd.s32 $0xFFFF8000  }
0x37: {  	[tilespmem:s17], [sflag:$0x2] =	stream.indirect.gather [hbm4b:s2+s16], $0x4000, s3, s16, $0xb8;
	[tilespmem:$0x18080] =	vst v63  }
0x38: {  	s12 =	simm.s32 $0x300  }
0x39: {  	[tilespmem:s19], [sflag:$0x3] =	stream.indirect.gather [hbm4b:s2+s16], $0x4000, s12, s16, $0xb8;
	[tilespmem:$0x18080] =	vst v63  }
0x3a: {  	_ =	swait.ge [sflag:s30], $0x8000  }
0x3b: {  	[sflag:s30] =	ssyncset.done $0x0  }
0x3c: {  	s20 =	simm.s32 $0x380;
	[sflag:s30] =	ssyncadd.s32 $0xFFFF8000  }
0x3d: {  	[tilespmem:s21], [sflag:$0x4] =	stream.indirect.gather [hbm4b:s2+s16], $0x4000, s20, s16, $0xb8;
	[tilespmem:$0x18080] =	vst v63  }
0x3e: {  	s22 =	simm.s32 $0x400  }
0x3f: {  	[tilespmem:s23], [sflag:$0x5] =	stream.indirect.gather [hbm4b:s2+s16], $0x4000, s22, s16, $0xb8;
	[tilespmem:$0x18080] =	vst v63  }
0x40: {  	_ =	swait.ge [sflag:s24], $0x4000  }
0x41: {  	[sflag:s24] =	ssyncset.done $0x0  }
0x42: {  	[sflag:s24] =	ssyncadd.s32 $0xFFFFC000  }
0x43: {  	_ =	swait.ge [sflag:s25], $0x4000  }
0x44: {  	[sflag:s25] =	ssyncset.done $0x0  }
0x45: {  	[sflag:s25] =	ssyncadd.s32 $0xFFFFC000  }
0x46: {  	[hbm4b:s11+s4] =	stream.linear.scatter [tilespmem:s17], [sflag:$0x6], $0x8000, $0x38;
	[tilespmem:$0x18080] =	vst v63  }
0x47: {  	_ =	swait.ge [sflag:s26], $0x4000  }
0x48: {  	[sflag:s26] =	ssyncset.done $0x0  }
0x49: {  	[sflag:s26] =	ssyncadd.s32 $0xFFFFC000  }
0x4a: {  	_ =	swait.ge [sflag:s28], $0x4000  }
0x4b: {  	s0 =	simm.s32 $0x800;
	s1 =	sadd.s32 $0x2000, s18;
	[sflag:s28] =	ssyncset.done $0x0  }
0x4c: {  	s3 =	sadd.s32 $0x2000, s11;
	s12 =	smov.u32 s18;
	[sflag:s28] =	ssyncadd.s32 $0xFFFFC000  }
.LBB2_2:
0x4d: {  	[hbm4b:s12+s4] =	stream.linear.scatter [tilespmem:s21], [sflag:$0x7], $0x8000, $0x38;
	[tilespmem:$0x18080] =	vst v63  }
0x4e: {  	s20 =	smov.u32 s0;
	s12 =	smov.u32 s1  }
0x4f: {  	p0 =	sne.s32 s0, $0xF000;
	s0 =	sadd.s32 $0x800, s0;
	_ =	swait.ge [sflag:s29], $0x8000  }
0x50: {  	s20 =	sshra.s32 s20, $0x2;
	[sflag:s29] =	ssyncset.done $0x0  }
0x51: {  	s22 =	sadd.s32 $0x280, s20;
	[sflag:s29] =	ssyncadd.s32 $0xFFFF8000  }
0x52: {  	[tilespmem:s17], [sflag:$0x2] =	stream.indirect.gather [hbm4b:s2+s16], $0x4000, s22, s16, $0xb8;
	[tilespmem:$0x18080] =	vst v63  }
0x53: {  	s22 =	sadd.s32 $0x300, s20  }
0x54: {  	[tilespmem:s19], [sflag:$0x3] =	stream.indirect.gather [hbm4b:s2+s16], $0x4000, s22, s16, $0xb8;
	[tilespmem:$0x18080] =	vst v63  }
0x55: {  	_ =	swait.ge [sflag:s30], $0x8000  }
0x56: {  	[sflag:s30] =	ssyncset.done $0x0  }
0x57: {  	s22 =	sadd.s32 $0x380, s20;
	[sflag:s30] =	ssyncadd.s32 $0xFFFF8000  }
0x58: {  	[tilespmem:s21], [sflag:$0x4] =	stream.indirect.gather [hbm4b:s2+s16], $0x4000, s22, s16, $0xb8;
	[tilespmem:$0x18080] =	vst v63  }
0x59: {  	s20 =	sadd.s32 $0x400, s20  }
0x5a: {  	[tilespmem:s23], [sflag:$0x5] =	stream.indirect.gather [hbm4b:s2+s16], $0x4000, s20, s16, $0xb8;
	[tilespmem:$0x18080] =	vst v63  }
0x5b: {  	_ =	swait.ge [sflag:s24], $0x4000  }
0x5c: {  	[sflag:s24] =	ssyncset.done $0x0  }
0x5d: {  	[sflag:s24] =	ssyncadd.s32 $0xFFFFC000  }
0x5e: {  	_ =	swait.ge [sflag:s25], $0x4000  }
0x5f: {  	[sflag:s25] =	ssyncset.done $0x0  }
0x60: {  	[sflag:s25] =	ssyncadd.s32 $0xFFFFC000  }
0x61: {  	[hbm4b:s3+s4] =	stream.linear.scatter [tilespmem:s17], [sflag:$0x6], $0x8000, $0x38;
	[tilespmem:$0x18080] =	vst v63  }
0x62: {  	_ =	swait.ge [sflag:s26], $0x4000  }
.Ltmp0:
0x63: {  	[sflag:s26] =	ssyncset.done $0x0;
	(pc) =	sbr.rel @p0 .LBB2_2-.Ltmp0, $4  }
0x64: {  	[sflag:s26] =	ssyncadd.s32 $0xFFFFC000  }
0x65: {  	_ =	swait.ge [sflag:s28], $0x4000  }
0x66: {  	[sflag:s28] =	ssyncset.done $0x0  }
0x67: {  	s1 =	sadd.s32 $0x2000, s1;
	s3 =	sadd.s32 $0x2000, s3;
	[sflag:s28] =	ssyncadd.s32 $0xFFFFC000  }
0x68: {  	[hbm4b:s12+s4] =	stream.linear.scatter [tilespmem:s21], [sflag:$0x7], $0x8000, $0x38;
	[tilespmem:$0x18080] =	vst v63  }
0x69: {  	_ =	swait.ge [sflag:s29], $0x8000  }
0x6a: {  	[sflag:s29] =	ssyncset.done $0x0  }
0x6b: {  	[sflag:s29] =	ssyncadd.s32 $0xFFFF8000  }
0x6c: {  	_ =	swait.ge [sflag:s30], $0x8000  }
0x6d: {  	[sflag:s30] =	ssyncset.done $0x0  }
0x6e: {  	[sflag:s30] =	ssyncadd.s32 $0xFFFF8000  }
0x6f: {  	s31 =	sadd.s32 $0x1, s31;
	_ =	swait.ge [sflag:s16], $0x4000  }
0x70: {  	p0 =	sne.s32 s31, s10;
	[sflag:s16] =	ssyncset.done $0x0  }
.Ltmp1:
0x71: {  	[sflag:s16] =	ssyncadd.s32 $0xFFFFC000;
	(pc) =	sbr.rel @p0 .LBB2_1-.Ltmp1, $4  }
0x72: {  	[hbm4b:s9+s4] =	stream.linear.scatter [tilespmem:s15], [sflag:$0x8], $0x4000, $0x38;
	[tilespmem:$0x18080] =	vst v63  }
0x73: {  	_ =	swait.ge [sflag:s13], $0x4000  }
0x74: {  	[sflag:s13] =	ssyncset.done $0x0  }
0x75: {  	[sflag:s13] =	ssyncadd.s32 $0xFFFFC000  }
0x76: {  	_ =	sfence.sel $0x180000  }
0x77: {  	[bflag:$0x0] =	sbarrier.arrive $0xFFFF  }
0x78: {  	_ =	strace $0x90000047  }
0x79: {  	s0 =	stileid.u32;
	[bflag:$0x2] =	sbarrier.arrive $0xFFFF  }
0x7a: {  	p0 =	sne.s32 s0, $0x0;
	s0 =	rddreg [dreg:$0x6]  }
0x7b: {  	s0 =	sadd.s32 @!p0 $0x100000, s0  }
0x7c: {  	[sflag:s0] =	ssyncadd.tile.s32 @!p0 $0x1;
	_ =	shalt  }
.Lfunc_end2:
_tile_overlayer_lowered:
.L_overlay_start_2:
0x7d: {  	(tag) =	ssettag $0x2  }
0x7e: {  	s0 =	rddreg [dreg:$0x0];
	s2 =	stileid.u32  }
0x7f: {  	s1 =	rddreg [dreg:$0x1];
	p0 =	sne.s32 s2, $0x0  }
0x80: {  	s3 =	rddreg [dreg:$0x2];
	[bflag:$0x3] =	sbarrier.arrive $0xFFFF;
	s2 =	simm.s32 @!p0 $0x1C08  }
0x81: {  	[timem:s3], [sflag:s2] =	dma.local @!p0 [hbm:s0], s1  }
0x82: {  	s0 =	simm.s32 @!p0 $0x8  }
0x83: {  	_ =	swait.ge @!p0 [sflag:s0], s1  }
0x84: {  	s1 =	ssub.s32 @!p0 $0x0, s1;
	[sflag:s0] =	ssyncset.done @!p0 $0x0  }
0x85: {  	[sflag:s0] =	ssyncadd.s32 @!p0 s1  }
0x86: {  	[bflag:$0x3] =	sbarrier.arrive $0xFFFF  }
0x87: {  	_ =	shalt  }

</sc_bundles>
